<compile_context>
chip_gen: v7x
topology: tpu7x:2x2x1
jax: 0.10.2.dev20260603
libtpu: 0.0.44.dev20260713+nightly
codegen_flags: <defaults>
</compile_context>

<pallas_src>
import functools

import jax
import jax.numpy as jnp
from jax import lax
from jax.experimental import pallas as pl
from jax.experimental.pallas import tpu as pltpu
from jax.experimental.pallas import tpu_sc as plsc

_B = 2
_H = 16
_K = 2048
_Q = 2048
_NB = 32
_LINE = 4096
_JH = _LINE // 2


@functools.partial(
    pl.kernel,
    mesh=plsc.VectorSubcoreMesh(core_axis_name="c", subcore_axis_name="s"),
    out_type=jax.ShapeDtypeStruct((_H, 1, _LINE), jnp.float32),
    scratch_types=[
        pltpu.VMEM((_NB, _H), jnp.float32),
        pltpu.VMEM((_JH,), jnp.float32),
    ],
    compiler_params=pltpu.CompilerParams(needs_layout_passes=False),
)
def _sc_line(table_hbm, gline_hbm, table_v, chunk_v):
    h = lax.axis_index("s")
    base = lax.axis_index("c") * _JH
    pltpu.sync_copy(table_hbm, table_v)
    hvec = jnp.full((16,), h, jnp.int32)

    @plsc.parallel_loop(0, _JH // 16, unroll=4)
    def body(g):
        j = base + g * 16 + lax.iota(jnp.int32, 16)
        d = 2047 - j
        nb = _NB // 2
        rb = jnp.where(d > 0, nb, 0)
        ad = jnp.abs(d)
        max_exact = nb // 2
        sq = (ad * ad).astype(jnp.float32)
        e = (lax.bitcast_convert_type(sq, jnp.int32) >> 23) - 127
        if_large = jnp.minimum(max_exact + (e - 6), nb - 1)
        bucket = rb + jnp.where(ad < max_exact, ad, if_large)
        chunk_v[pl.ds(g * 16, 16)] = plsc.load_gather(table_v, [bucket, hvec])

    pltpu.sync_copy(chunk_v, gline_hbm.at[h, 0, pl.ds(base, _JH)])


def _bcast_kernel(gline_ref, out_ref):
    big = jnp.broadcast_to(gline_ref[0], (_K, _LINE))
    rolled = pltpu.roll(big, _LINE // 2 + 1, 1, stride=1, stride_axis=0)
    out_ref[0, 0] = rolled[:, :_Q]


def kernel(batch, key_length, query_length, table):
    gline = _sc_line(table)
    out = pl.pallas_call(
        _bcast_kernel,
        grid=(_H, _B),
        in_specs=[pl.BlockSpec((1, 1, _LINE), lambda h, b: (h, 0, 0))],
        out_specs=pl.BlockSpec((1, 1, _K, _Q), lambda h, b: (b, h, 0, 0)),
        out_shape=jax.ShapeDtypeStruct((_B, _H, _K, _Q), jnp.float32),
        compiler_params=pltpu.CompilerParams(vmem_limit_bytes=100 * 1024 * 1024),
    )(gline)
    return out

# --- scband reference (transcript-rebuilt; emitter-appended) ---
"""Pipeline reference for scband-position-embedding-th-50637664420479 (READ-ONLY COPY).

The authoritative reference and input builder live on the scoring server;
editing this copy changes nothing except your own understanding.
"""

import jax, jax.numpy as jnp
import numpy as np
import math

NUM_HEADS = 16
NUM_BUCKETS = 32
MAX_DISTANCE = 128
BIDIRECTIONAL = True


def setup_inputs(seed: int = 0) -> dict:
    key = jax.random.key(seed)
    table = jax.random.normal(key, (NUM_BUCKETS, NUM_HEADS), dtype=jnp.float32)
    return {
        "batch": 2,
        "key_length": 2048,
        "query_length": 2048,
        "table": table,
    }


def _relative_position_bucket(relative_position, bidirectional, num_buckets, max_distance):
    relative_buckets = jnp.zeros_like(relative_position)
    if bidirectional:
        num_buckets //= 2
        relative_buckets = relative_buckets + (relative_position > 0).astype(jnp.int32) * num_buckets
        relative_position = jnp.abs(relative_position)
    else:
        relative_position = -jnp.minimum(relative_position, jnp.zeros_like(relative_position))
    max_exact = num_buckets // 2
    is_small = relative_position < max_exact
    rp_safe = jnp.maximum(relative_position, 1).astype(jnp.float32)
    rp_if_large = max_exact + (
        jnp.log(rp_safe / max_exact) / math.log(max_distance / max_exact) * (num_buckets - max_exact)
    ).astype(jnp.int32)
    rp_if_large = jnp.minimum(rp_if_large, jnp.full_like(rp_if_large, num_buckets - 1))
    relative_buckets = relative_buckets + jnp.where(is_small, relative_position, rp_if_large)
    return relative_buckets


def reference(batch, key_length, query_length, table):
    q_zero = jnp.asarray(query_length, dtype=jnp.int32) - jnp.asarray(query_length, dtype=jnp.int32)
    k_zero = jnp.asarray(key_length, dtype=jnp.int32) - jnp.asarray(key_length, dtype=jnp.int32)
    context_position = (jnp.arange(2048, dtype=jnp.int32) + q_zero)[:, None]
    memory_position = (jnp.arange(2048, dtype=jnp.int32) + k_zero)[None, :]
    relative_position = memory_position - context_position
    buckets = _relative_position_bucket(
        relative_position,
        bidirectional=BIDIRECTIONAL,
        num_buckets=NUM_BUCKETS,
        max_distance=MAX_DISTANCE,
    )
    values = jnp.take(table, buckets, axis=0)  # [q, k, H]
    values = jnp.transpose(values, (2, 1, 0))[None, :, :, :]  # [1, H, k, q]
    values = jnp.tile(values, (2, 1, 1, 1))  # [B, H, k, q]
    b_zero = jnp.asarray(batch, dtype=jnp.int32) - jnp.asarray(batch, dtype=jnp.int32)
    values = values + b_zero.astype(values.dtype)
    return values

if __name__ == "__main__":
    import jax
    _d = setup_inputs()
    print(jax.jit(kernel)(*tuple(_d.values())))

</pallas_src>

<mosaic_0001>
#map = affine_map<(d0, d1) -> (0, 0)>
#map1 = affine_map<(d0, d1) -> (0, 0, 0)>
module attributes {stable_mosaic.version = 14 : i64} {
  func.func @_sc_line(%arg0: i32, %arg1: i32, %arg2: memref<32x16xf32, #tpu.memory_space<hbm>>, %arg3: memref<16x1x4096xf32, #tpu.memory_space<hbm>>, %arg4: memref<32x16xf32, #tpu.memory_space<vmem>>, %arg5: memref<2048xf32, #tpu.memory_space<vmem>>) attributes {dimension_semantics = [#tpu.dimension_semantics<core_parallel>, #tpu.dimension_semantics<subcore_parallel>], iteration_bounds = array<i64: 2, 16>, scalar_prefetch = 0 : i64, scratch_operands = 2 : i64, tpu.core_type = #tpu.core_type<sc_vector_subcore>, window_params = [{transform_indices = #map}, {transform_indices = #map1}]} {
    %mul3A = arith.constant 2048 : i32
    %mul3A_0 = arith.muli %arg0, %mul3A : i32
    "tpu.region"() ({
      %run_scoped3A_3 = tpu.sem_alloc : memref<!tpu.dma_semaphore, #tpu.memory_space<semaphore_mem>>
      tpu.enqueue_dma source(%arg2 : memref<32x16xf32, #tpu.memory_space<hbm>>) target(%arg4 : memref<32x16xf32, #tpu.memory_space<vmem>>) target_semaphore(%run_scoped3A_3 : memref<!tpu.dma_semaphore, #tpu.memory_space<semaphore_mem>>)
      tpu.wait_dma2 semaphore(%run_scoped3A_3 : memref<!tpu.dma_semaphore, #tpu.memory_space<semaphore_mem>>) src(%arg2 : memref<32x16xf32, #tpu.memory_space<hbm>>) dst(%arg4 : memref<32x16xf32, #tpu.memory_space<vmem>>)
      tpu.yield
    }) : () -> ()
    %broadcast_in_dim3A = vector.broadcast %arg1 : i32 to vector<16xi32>
    %parallel_loop3A = arith.constant 0 : i32
    %parallel_loop3A_1 = arith.constant 128 : i32
    %parallel_loop3A_2 = arith.constant 1 : i32
    scf.for %parallel_loop3A_3 = %parallel_loop3A to %parallel_loop3A_1 step %parallel_loop3A_2  : i32 {
      %parallel_loop3A_4 = arith.constant 16 : i32
      %parallel_loop3A_5 = arith.muli %parallel_loop3A_3, %parallel_loop3A_4 : i32
      %parallel_loop3A_6 = arith.addi %mul3A_0, %parallel_loop3A_5 : i32
      %parallel_loop3A_7 = tpu.iota {dimensions = array<i32: 0>} : vector<16xi32>
      %parallel_loop3A_8 = vector.broadcast %parallel_loop3A_6 : i32 to vector<16xi32>
      %parallel_loop3A_9 = arith.addi %parallel_loop3A_8, %parallel_loop3A_7 : vector<16xi32>
      %parallel_loop3A_10 = arith.constant 2047 : i32
      %parallel_loop3A_11 = vector.broadcast %parallel_loop3A_10 : i32 to vector<16xi32>
      %parallel_loop3A_12 = arith.subi %parallel_loop3A_11, %parallel_loop3A_9 : vector<16xi32>
      %parallel_loop3A_13 = arith.constant 0 : i32
      %parallel_loop3A_14 = vector.broadcast %parallel_loop3A_13 : i32 to vector<16xi32>
      %parallel_loop3A_15 = arith.cmpi sgt, %parallel_loop3A_12, %parallel_loop3A_14 : vector<16xi32>
      %parallel_loop3A_16 = arith.constant 16 : i32
      %parallel_loop3A_17 = arith.constant 0 : i32
      %parallel_loop3A_18 = vector.broadcast %parallel_loop3A_16 : i32 to vector<16xi32>
      %parallel_loop3A_19 = vector.broadcast %parallel_loop3A_17 : i32 to vector<16xi32>
      %parallel_loop3A_20 = arith.select %parallel_loop3A_15, %parallel_loop3A_18, %parallel_loop3A_19 : vector<16xi1>, vector<16xi32>
      %parallel_loop3A_21 = math.absi %parallel_loop3A_12 : vector<16xi32>
      %parallel_loop3A_22 = arith.muli %parallel_loop3A_21, %parallel_loop3A_21 : vector<16xi32>
      %parallel_loop3A_23 = arith.sitofp %parallel_loop3A_22 : vector<16xi32> to vector<16xf32>
      %parallel_loop3A_24 = tpu.bitcast %parallel_loop3A_23 : vector<16xf32> -> vector<16xi32>
      %parallel_loop3A_25 = arith.constant 23 : i32
      %parallel_loop3A_26 = vector.broadcast %parallel_loop3A_25 : i32 to vector<16xi32>
      %parallel_loop3A_27 = arith.shrsi %parallel_loop3A_24, %parallel_loop3A_26 : vector<16xi32>
      %parallel_loop3A_28 = arith.constant 127 : i32
      %parallel_loop3A_29 = vector.broadcast %parallel_loop3A_28 : i32 to vector<16xi32>
      %parallel_loop3A_30 = arith.subi %parallel_loop3A_27, %parallel_loop3A_29 : vector<16xi32>
      %parallel_loop3A_31 = arith.constant 6 : i32
      %parallel_loop3A_32 = vector.broadcast %parallel_loop3A_31 : i32 to vector<16xi32>
      %parallel_loop3A_33 = arith.subi %parallel_loop3A_30, %parallel_loop3A_32 : vector<16xi32>
      %parallel_loop3A_34 = arith.constant 8 : i32
      %parallel_loop3A_35 = vector.broadcast %parallel_loop3A_34 : i32 to vector<16xi32>
      %parallel_loop3A_36 = arith.addi %parallel_loop3A_35, %parallel_loop3A_33 : vector<16xi32>
      %parallel_loop3A_37 = arith.constant 15 : i32
      %parallel_loop3A_38 = vector.broadcast %parallel_loop3A_37 : i32 to vector<16xi32>
      %parallel_loop3A_39 = arith.minsi %parallel_loop3A_36, %parallel_loop3A_38 : vector<16xi32>
      %parallel_loop3A_40 = arith.constant 8 : i32
      %parallel_loop3A_41 = vector.broadcast %parallel_loop3A_40 : i32 to vector<16xi32>
      %parallel_loop3A_42 = arith.cmpi slt, %parallel_loop3A_21, %parallel_loop3A_41 : vector<16xi32>
      %parallel_loop3A_43 = arith.select %parallel_loop3A_42, %parallel_loop3A_21, %parallel_loop3A_39 : vector<16xi1>, vector<16xi32>
      %parallel_loop3A_44 = arith.addi %parallel_loop3A_20, %parallel_loop3A_43 : vector<16xi32>
      %parallel_loop3A_45 = tpu.vector_load_idx %arg4[%parallel_loop3A_44, %broadcast_in_dim3A] : memref<32x16xf32, #tpu.memory_space<vmem>>[vector<16xi32>, vector<16xi32>], vector<16xf32>,
      %parallel_loop3A_46 = arith.constant 16 : i32
      %parallel_loop3A_47 = arith.muli %parallel_loop3A_3, %parallel_loop3A_46 : i32
      %parallel_loop3A_48 = arith.index_cast %parallel_loop3A_47 : i32 to index
      %parallel_loop3A_49 = tpu.vector_load %arg5[%parallel_loop3A_48] {strides = array<i32>} : memref<2048xf32, #tpu.memory_space<vmem>>, vector<16xf32>,
      tpu.vector_store %arg5[%parallel_loop3A_48], %parallel_loop3A_45 {strides = array<i32>} : memref<2048xf32, #tpu.memory_space<vmem>>, vector<16xf32>,
    } {sc.loop_unroll_factor = 4 : i64, sc.parallel_access}
    %run_scoped3A = arith.constant 0 : i32
    "tpu.region"() ({
      %run_scoped3A_3 = tpu.sem_alloc : memref<!tpu.dma_semaphore, #tpu.memory_space<semaphore_mem>>
      %dma_start3A = tpu.memref_slice %arg3[%arg1, %run_scoped3A, %mul3A_0] : memref<16x1x4096xf32, #tpu.memory_space<hbm>> -> memref<1x1x2048xf32, #tpu.memory_space<hbm>>
      %dma_start3A_4 = tpu.memref_squeeze %dma_start3A : memref<1x1x2048xf32, #tpu.memory_space<hbm>> -> memref<2048xf32, #tpu.memory_space<hbm>>
      %dma_start3A_5 = tpu.memref_slice %arg3[%arg1, %run_scoped3A, %mul3A_0] : memref<16x1x4096xf32, #tpu.memory_space<hbm>> -> memref<1x1x2048xf32, #tpu.memory_space<hbm>>
      %dma_start3A_6 = tpu.memref_squeeze %dma_start3A_5 : memref<1x1x2048xf32, #tpu.memory_space<hbm>> -> memref<2048xf32, #tpu.memory_space<hbm>>
      tpu.enqueue_dma source(%arg5 : memref<2048xf32, #tpu.memory_space<vmem>>) target(%dma_start3A_6 : memref<2048xf32, #tpu.memory_space<hbm>>) target_semaphore(%run_scoped3A_3 : memref<!tpu.dma_semaphore, #tpu.memory_space<semaphore_mem>>)
      %dma_wait3A = tpu.memref_slice %arg3[%arg1, %run_scoped3A, %mul3A_0] : memref<16x1x4096xf32, #tpu.memory_space<hbm>> -> memref<1x1x2048xf32, #tpu.memory_space<hbm>>
      %dma_wait3A_7 = tpu.memref_squeeze %dma_wait3A : memref<1x1x2048xf32, #tpu.memory_space<hbm>> -> memref<2048xf32, #tpu.memory_space<hbm>>
      %dma_wait3A_8 = tpu.memref_slice %arg3[%arg1, %run_scoped3A, %mul3A_0] : memref<16x1x4096xf32, #tpu.memory_space<hbm>> -> memref<1x1x2048xf32, #tpu.memory_space<hbm>>
      %dma_wait3A_9 = tpu.memref_squeeze %dma_wait3A_8 : memref<1x1x2048xf32, #tpu.memory_space<hbm>> -> memref<2048xf32, #tpu.memory_space<hbm>>
      tpu.wait_dma2 semaphore(%run_scoped3A_3 : memref<!tpu.dma_semaphore, #tpu.memory_space<semaphore_mem>>) src(%arg5 : memref<2048xf32, #tpu.memory_space<vmem>>) dst(%dma_wait3A_9 : memref<2048xf32, #tpu.memory_space<hbm>>)
      tpu.yield
    }) : () -> ()
    return
  }
}

module attributes {stable_mosaic.version = 14 : i64} {
  func.func @_bcast_kernel(%arg0: i32, %arg1: i32, %arg2: memref<1x1x4096xf32, #tpu.memory_space<vmem>>, %arg3: memref<1x1x2048x2048xf32, #tpu.memory_space<vmem>>) attributes {dimension_semantics = [#tpu.dimension_semantics<arbitrary>, #tpu.dimension_semantics<arbitrary>], iteration_bounds = array<i64: 16, 2>, scalar_prefetch = 0 : i64, scratch_operands = 0 : i64, tpu.core_type = #tpu.core_type<tc>, window_params = [{transform_indices = @transform_0, window_bounds = array<i64: 1, 1, 4096>}, {transform_indices = @transform_1, window_bounds = array<i64: 1, 1, 2048, 2048>}]} {
    %get3A = arith.constant 0 : index
    %get3A_0 = arith.constant 0 : index
    %get3A_1 = arith.constant 0 : index
    %get3A_2 = vector.load %arg2[%get3A, %get3A_0, %get3A_1] : memref<1x1x4096xf32, #tpu.memory_space<vmem>>, vector<1x1x4096xf32>
    %get3A_3 = vector.shape_cast %get3A_2 : vector<1x1x4096xf32> to vector<1x4096xf32>
    %broadcast_in_dim3A = vector.shape_cast %get3A_3 : vector<1x4096xf32> to vector<1x4096xf32>
    %broadcast_in_dim3A_4 = vector.broadcast %broadcast_in_dim3A : vector<1x4096xf32> to vector<2048x4096xf32>
    %roll3A = arith.constant 2049 : i32
    %roll3A_5 = tpu.dynamic_rotate %broadcast_in_dim3A_4 by %roll3A dim 1 {stride = 1 : si32, stride_dimension = 0 : si32} : vector<2048x4096xf32>, i32 -> vector<2048x4096xf32>
    %slice3A = vector.extract_strided_slice %roll3A_5 {offsets = [0, 0], sizes = [2048, 2048], strides = [1, 1]} : vector<2048x4096xf32> to vector<2048x2048xf32>
    %swap3A = arith.constant 0 : index
    %swap3A_6 = arith.constant 0 : index
    %swap3A_7 = arith.constant 0 : index
    %swap3A_8 = arith.constant 0 : index
    %swap3A_9 = vector.load %arg3[%swap3A, %swap3A_6, %swap3A_7, %swap3A_8] : memref<1x1x2048x2048xf32, #tpu.memory_space<vmem>>, vector<1x1x2048x2048xf32>
    %swap3A_10 = vector.shape_cast %swap3A_9 : vector<1x1x2048x2048xf32> to vector<2048x2048xf32>
    %swap3A_11 = vector.shape_cast %slice3A : vector<2048x2048xf32> to vector<1x1x2048x2048xf32>
    tpu.vector_store %arg3[%swap3A, %swap3A_6, %swap3A_7, %swap3A_8], %swap3A_11 {strides = array<i32>} : memref<1x1x2048x2048xf32, #tpu.memory_space<vmem>>, vector<1x1x2048x2048xf32>,
    return
  }
  func.func @transform_0(%arg0: i32, %arg1: i32) -> (i32, i32, i32) {
    %c0_i32 = arith.constant 0 : i32
    %c0_i32_0 = arith.constant 0 : i32
    %c0_i32_1 = arith.constant 0 : i32
    return %arg0, %c0_i32, %c0_i32_0 : i32, i32, i32
  }
  func.func @transform_1(%arg0: i32, %arg1: i32) -> (i32, i32, i32, i32) {
    %c0_i32 = arith.constant 0 : i32
    %c0_i32_0 = arith.constant 0 : i32
    %c0_i32_1 = arith.constant 0 : i32
    return %arg1, %arg0, %c0_i32, %c0_i32_0 : i32, i32, i32, i32
  }
}

</mosaic_0001>

<sc_bundles>
// kernel: kernel.4.cloned.1.call-start
scs
__scs_entry_jumppad:
0x0: {  	(pc) =	sbr.rel $0x88, $3  }
0x1: {  	(tag) =	ssettag $0x0;
	lr =	simm.s32 $0x1  }
0x2: {  	[smem:$0x3FA0] =	sst lr;
	_ =	strace $0xD0000000  }
0x3: {  	_ = 	snop  }
0x4: {  	_ = 	snop  }
0x5: {  	_ = 	snop  }
0x6: {  	_ = 	snop  }
0x7: {  	_ = 	snop  }
__scs_overlays_trampoline_lowered:
0x8: {  	[smem:$0x3FAF] =	sst s0  }
0x9: {  	[smem:$0x3FB0] =	sst s1  }
0xa: {  	[smem:$0x3FB1] =	sst s2  }
0xb: {  	[smem:$0x3FB2] =	sst s3  }
0xc: {  	[smem:$0x3FB3] =	sst s4  }
0xd: {  	[smem:$0x3FB4] =	sst s5  }
0xe: {  	[smem:$0x3FB5] =	sst s6  }
0xf: {  	[smem:$0x3FB6] =	sst s7  }
0x10: {  	[smem:$0x3FB7] =	sst s8  }
0x11: {  	[smem:$0x3FB8] =	sst s9;
	s0 =	simm.s32 @!p0 $0x0  }
0x12: {  	s1 =	sld [smem:$0x3F9E];
	s0 =	simm.s32 @p0 $0x1  }
0x13: {  	[smem:$0x3FB9] =	sst s0;
	s0 =	simm.s32 @!p1 $0x0  }
0x14: {  	s2 =	sld [smem:$0x3F9D];
	s0 =	simm.s32 @p1 $0x1  }
0x15: {  	[smem:$0x3FBA] =	sst s0;
	s0 =	simm.s32 @!p2 $0x0  }
0x16: {  	s3 =	sld [smem:$0x3FDB];
	s0 =	simm.s32 @p2 $0x1  }
0x17: {  	s4 =	simm.s32 $0x1BF5;
	[smem:$0x3FBC] =	sst s0  }
0x18: {  	s0 =	sld [smem:$0x3F9F];
	_ =	swait.ge [sflag:s4], $0x0  }
0x19: {  	s7 =	sld [smem:$0x3FA0]  }
0x1a: {  	s8 =	sadd.s32 $0xFFFFE003, lr  }
0x1b: {  	s9 =	sadd.s32 $0xFFFFFEF7, lr;
	s5 =	simm.s32 $0xFFFFFFFF;
	p2 =	slt.u32 s8, $0xFFFFF086  }
0x1c: {  	p1 =	slt.u32 s9, $0xF7A;
	s5 =	simm.s32 @!p2 $0x0  }
0x1d: {  	s5 =	simm.s32 @p1 $0x1;
	p0 =	seq.s32 s7, s2  }
0x1e: {  	s7 =	smul.u32 @!p0 $0xF7A, s2;
	p2 =	seq.s32 @!p0 s5, $0x0  }
0x1f: {  	s9 =	smul.u32 $0xF7A, s1;
	s8 =	simm.s32 @!p0 $0x1BF5;
	p2 =	por !p2, p0  }
0x20: {  	[sflag:s8] =	ssyncset.s32 @!p0 $0xFFFFF086;
	s6 =	sadd.s32 @!p0 s3, s7;
	s7 =	simm.s32 @!p0 $0x108  }
0x21: {  	s3 =	sadd.s32 s3, s9;
	s6 =	sadd.s32 @!p0 $0x88, s6;
	s7 =	simm.s32 @p2 $0x1082  }
0x22: {  	[simem:s7], [sflag:s8] =	dma.local @!p0 [hbm:s6], $0xF7A  }
0x23: {  	s9 =	sor.u32 $0xD0000000, s2;
	s6 =	simm.s32 $0x108;
	_ =	swait.ge @!p0 [sflag:s8], $0x0  }
0x24: {  	s3 =	sadd.s32 $0x88, s3;
	s6 =	simm.s32 @!p1 $0x1082;
	[sflag:s4] =	ssyncset.s32 $0xFFFFF086  }
0x25: {  	[simem:s6], [sflag:s4] =	dma.local [hbm:s3], $0xF7A  }
0x26: {  	[smem:$0x3FA0] =	sst s1;
	(tag) =	ssettag s2;
	_ =	strace s9  }
0x27: {  	s1 =	sld [smem:$0x3FB0]  }
0x28: {  	s2 =	sld [smem:$0x3FB1]  }
0x29: {  	s4 =	sld [smem:$0x3FB3]  }
0x2a: {  	p0 =	seq.s32 s5, $0x0;
	s5 =	sld [smem:$0x3FB4]  }
0x2b: {  	s6 =	sld [smem:$0x3FB5]  }
0x2c: {  	s7 =	sld [smem:$0x3FB6]  }
0x2d: {  	s3 =	simm.s32 $0x108;
	s8 =	sld [smem:$0x3FB7]  }
0x2e: {  	s3 =	simm.s32 @!p0 $0x1082;
	s9 =	sld [smem:$0x3FB8]  }
0x2f: {  	lr =	sadd.s32 s0, s3;
	s0 =	sld [smem:$0x3FAF]  }
0x30: {  	s3 =	sld [smem:$0x3FB2]  }
0x31: {  	[smem:$0x3FBB] =	sst s10  }
0x32: {  	s10 =	sld [smem:$0x3FB9];
	_ =	sdelay $0x3  }
0x33: {  	p0 =	seq.s32 s10, $0x1;
	s10 =	sld [smem:$0x3FBB];
	_ =	sdelay $0x3  }
0x34: {  	[smem:$0x3FBB] =	sst s10  }
0x35: {  	s10 =	sld [smem:$0x3FBA];
	_ =	sdelay $0x3  }
0x36: {  	p1 =	seq.s32 s10, $0x1;
	s10 =	sld [smem:$0x3FBB];
	_ =	sdelay $0x3  }
0x37: {  	[smem:$0x3FBB] =	sst s10  }
0x38: {  	s10 =	sld [smem:$0x3FBC]  }
0x39: {  	_ = 	snop;
	(pc) =	sbr.ind lr, $3  }
0x3a: {  	_ = 	snop  }
0x3b: {  	_ = 	snop  }
0x3c: {  	p2 =	seq.s32 s10, $0x1;
	s10 =	sld [smem:$0x3FBB]  }
0x3d: {  	_ =	shalt  }
0x3e: {  	_ =	shalt  }
0x3f: {  	_ =	shalt  }
0x40: {  	_ =	shalt  }
0x41: {  	_ =	shalt  }
0x42: {  	_ =	shalt  }
0x43: {  	_ =	shalt  }
0x44: {  	_ =	shalt  }
0x45: {  	_ =	shalt  }
0x46: {  	_ =	shalt  }
0x47: {  	_ =	shalt  }
0x48: {  	_ =	shalt  }
0x49: {  	_ =	shalt  }
0x4a: {  	_ =	shalt  }
0x4b: {  	_ =	shalt  }
0x4c: {  	_ =	shalt  }
0x4d: {  	_ =	shalt  }
0x4e: {  	_ =	shalt  }
0x4f: {  	_ =	shalt  }
0x50: {  	_ =	shalt  }
0x51: {  	_ =	shalt  }
0x52: {  	_ =	shalt  }
0x53: {  	_ =	shalt  }
0x54: {  	_ =	shalt  }
0x55: {  	_ =	shalt  }
0x56: {  	_ =	shalt  }
0x57: {  	_ =	shalt  }
0x58: {  	_ =	shalt  }
0x59: {  	_ =	shalt  }
0x5a: {  	_ =	shalt  }
0x5b: {  	_ =	shalt  }
0x5c: {  	_ =	shalt  }
0x5d: {  	_ =	shalt  }
0x5e: {  	_ =	shalt  }
0x5f: {  	_ =	shalt  }
0x60: {  	_ =	shalt  }
0x61: {  	_ =	shalt  }
0x62: {  	_ =	shalt  }
0x63: {  	_ =	shalt  }
0x64: {  	_ =	shalt  }
0x65: {  	_ =	shalt  }
0x66: {  	_ =	shalt  }
0x67: {  	_ =	shalt  }
0x68: {  	_ =	shalt  }
0x69: {  	_ =	shalt  }
0x6a: {  	_ =	shalt  }
0x6b: {  	_ =	shalt  }
0x6c: {  	_ =	shalt  }
0x6d: {  	_ =	shalt  }
0x6e: {  	_ =	shalt  }
0x6f: {  	_ =	shalt  }
0x70: {  	_ =	shalt  }
0x71: {  	_ =	shalt  }
0x72: {  	_ =	shalt  }
0x73: {  	_ =	shalt  }
0x74: {  	_ =	shalt  }
0x75: {  	_ =	shalt  }
0x76: {  	_ =	shalt  }
0x77: {  	_ =	shalt  }
0x78: {  	_ =	shalt  }
0x79: {  	_ =	shalt  }
0x7a: {  	_ =	shalt  }
0x7b: {  	_ =	shalt  }
0x7c: {  	_ =	shalt  }
0x7d: {  	_ =	shalt  }
0x7e: {  	_ =	shalt  }
0x7f: {  	_ =	shalt  }
0x80: {  	_ =	shalt  }
0x81: {  	_ =	shalt  }
0x82: {  	_ =	shalt  }
0x83: {  	_ =	shalt  }
0x84: {  	_ =	shalt  }
0x85: {  	_ =	shalt  }
0x86: {  	_ =	shalt  }
0x87: {  	_ =	shalt  }
.Lfunc_end0:
.L_simem_size_0:
called_computation_lowered:
.L_overlay_start_0:
0x88: {  	s2 =	sld [smem:$0x3FD9]  }
0x89: {  	s3 =	sld [smem:$0x3FFE];
	_ =	sdelay $0x1  }
0x8a: {  	s1 =	srdreg.scid  }
0x8b: {  	s0 =	sand.u32 $0x1, s1  }
0x8c: {  	s17 =	sshll.u32 s0, $0xA;
	s2 =	sadd.s32 s3, s2  }
0x8d: {  	s2 =	sadd.s32 s2, s17  }
0x8e: {  	[smem:$0x3FC7] =	sst s2  }
0x8f: {  	_ = 	snop  }
0x90: {  	s2 =	sld [smem:$0x3FD0];
	(tm) =	ssettm $0x1  }
0x91: {  	s18 =	sld [smem:$0x3FFB];
	_ =	sdelay $0x3  }
0x92: {  	_ =	strace s18  }
0x93: {  	s3 =	sld [smem:$0x3FFC];
	_ =	sdelay $0x3  }
0x94: {  	_ =	strace s3  }
0x95: {  	s3 =	sld [smem:$0x3FFD];
	_ =	sdelay $0x3  }
0x96: {  	_ =	strace s3  }
0x97: {  	_ =	strace $0x8FFFFFFF  }
0x98: {  	s19 =	sld [smem:$0x3FDB];
	_ =	sdelay $0x1  }
0x99: {  	s4 =	simm.s32 $_scs_section_size  }
0x9a: {  	s5 =	simm.s32 $_size__tile_overlayer_lowered;
	s6 =	simm.s32 $_tile_overlayer_lowered  }
0x9b: {  	s22 =	simm.s32 $0x1BFF;
	s21 =	sshll.u32 s6, $0x1;
	s3 =	sadd.s32 s4, s19  }
0x9c: {  	s7 =	simm.s32 $0x0;
	s20 =	sshll.u32 s5, $0x1;
	s5 =	sadd.s32 s21, s3  }
0x9d: {  	[timem:s7], [sflag:s22] =	dma.local [hbm:s5], s20  }
0x9e: {  	_ =	swait.ge [sflag:s22], s20  }
0x9f: {  	s4 =	ssub.s32 $0x0, s20;
	[sflag:s22] =	ssyncset.done $0x0  }
0xa0: {  	[sflag:s22] =	ssyncadd.s32 s4;
	_ =	sdelay $0x1  }
0xa1: {  	s23 =	simm.s32 $0x1B8B  }
0xa2: {  	_ =	swait.ge [sflag:s23], $0x1  }
0xa3: {  	[sflag:s23] =	ssyncset.done $0x0  }
0xa4: {  	s25 =	simm.s32 $0x1B8E;
	s24 =	sld [smem:$0x3FFE];
	[sflag:s23] =	ssyncadd.s32 $0xFFFFFFFF  }
0xa5: {  	s26 =	simm.s32 $execute0_lowered;
	[smem:$0x3FD2] =	sst s25  }
0xa6: {  	s5 =	sshll.u32 s26, $0x1;
	_ =	strace $0x80000046;
	[dreg:$0x1] =	wrdreg $0xFFFFFFFF  }
0xa7: {  	s28 =	simm.s32 $_size_execute0_lowered;
	s3 =	sadd.s32 s3, s5;
	[dreg:$0x0] =	wrdreg $0x0  }
0xa8: {  	s5 =	sshll.u32 s28, $0x1;
	[dreg:$0x2] =	wrdreg s3  }
0xa9: {  	[dreg:$0x3] =	wrdreg s5  }
0xaa: {  	[dreg:$0x4] =	wrdreg $0xC0  }
0xab: {  	_ =	task [dreg:s7], $0x5FFFF  }
0xac: {  	[dreg:$0x1] =	wrdreg $0xFFFFFFFF  }
0xad: {  	[dreg:$0x0] =	wrdreg $0x60  }
0xae: {  	[dreg:$0x2] =	wrdreg s2  }
0xaf: {  	[dreg:$0x3] =	wrdreg s24  }
0xb0: {  	[dreg:$0x4] =	wrdreg $0x9  }
0xb1: {  	_ =	task.clear_ibuf [dreg:s7], $0x5FFFF;
	_ =	strace $0x90000046  }
0xb2: {  	s29 =	simm.s32 $0x9;
	_ =	strace $0x80000048  }
0xb3: {  	_ =	swait.ge [sflag:s29], $0x1  }
0xb4: {  	[sflag:s29] =	ssyncadd.s32 $0xFFFFFFFF  }
0xb5: {  	_ =	strace $0x90000048  }
0xb6: {  	_ =	sfence  }
0xb7: {  	s30 =	sld [smem:$0x0];
	_ =	sdelay $0x2  }
0xb8: {  	s31 =	sshll.u32 s1, $0xD;
	s1 =	sshrl.u32 s1, $0x2  }
0xb9: {  	s3 =	sand.u32 $0x4000, s31;
	s1 =	sadd.s32 s1, s30  }
0xba: {  	s0 =	sor.u32 s3, s0;
	s1 =	sshll.u32 s1, $0x11  }
0xbb: {  	s0 =	sor.u32 s1, s0  }
0xbc: {  	s0 =	sadd.s32 $0x8F2B, s0  }
0xbd: {  	[sflag:s0] =	ssyncadd.remote.s32 $0x1  }
0xbe: {  	_ =	sfence.sel $0xFFFF  }
0xbf: {  	[dreg:$0x0] =	wrdreg $0xFFFFFFFF;
	(pc) =	sbr.abs _section_cstart, $3  }
0xc0: {  	[dreg:$0x1] =	wrdreg $0xFFFFFFFF  }
0xc1: {  	_ =	task.clear_ibuf [dreg:s7], $0x2FFFF;
	_ =	strace $0x9FFFFFFF  }
0xc2: {  	(tm) =	ssettm $0x7FFFFFFF  }
0xc3: {  	_ =	shalt  }
tec
execute0_lowered:
.L_overlay_start_1:
0x0: {  	(tag) =	ssettag $0x1  }
0x1: {  	s2 =	rddreg [dreg:$0x0];
	s0 =	srdreg.scid  }
0x2: {  	s4 =	rddreg [dreg:$0x1];
	s1 =	stileid.u32;
	s3 =	simm.s32 $0x0  }
0x3: {  	s9 =	simm.s32 $0x0;
	s5 =	sand.u32 $0x1, s0;
	s0 =	rddreg [dreg:$0x2]  }
0x4: {  	s7 =	sshll.u32 s1, $0xC;
	[smem:$0x7FF] =	sst s3;
	s6 =	sshll.u32 s5, $0xB  }
0x5: {  	v0 =	vlaneseq.u32;
	s5 =	ssub.s32 $0x2, s5;
	_ =	strace $0x80000047;
	s7 =	sor.u32 s6, s7  }
0x6: {  	v1 =	vmul.u32 $0xFFFFFFFF, v0;
	s8 =	sshrl.u32 s5, $0x1;
	s6 =	sor.u32 $0x30, s6;
	s7 =	sshrl.u32 s7, $0x3  }
0x7: {  	v0 =	vmov s1;
	s5 =	ssub.s32 s5, s8;
	s8 =	simm.s32 $0x1000;
	s4 =	sadd.s32 s7, s4  }
0x8: {  	v2 =	vimm.s32 $0x0;
	v0 =	vbroadcast v0, $0x0;
	v1 =	vadd.s32 $0x7FF, v1;
	s5 =	smax.u32 s5, $0x1;
	s7 =	simm.s32 $0x1;
	s4 =	sadd.s32 $0x400, s4  }
.LBB2_1:
0x9: {  	s10 =	sadd.s32 $0xFFFFFFE0, s6  }
0xa: {  	s11 =	sadd.s32 $0xFFFFFFF0, s6;
	v3 =	vmov s6;
	vm0 =	vgt.s32 v1, s6;
	s12 =	sadd.s32 $0xFFFFFFD0, s6;
	v4 =	vmov s10  }
0xb: {  	v5 =	vmov s11;
	v3 =	vsub.s32 v1, v3;
	v6 =	vmov s12  }
0xc: {  	s29 =	sadd.s32 $0x40, s6;
	vm1 =	vgt.s32 v1, s11;
	vm4 =	vgt.s32 v1, s12;
	vm7 =	vgt.s32 v1, s10  }
0xd: {  	vm8 =	vgt.s32 v1, s29;
	v4 =	vsub.s32 v1, v4;
	v5 =	vsub.s32 v1, v5  }
0xe: {  	s31 =	sadd.s32 $0xFFFFFFE0, s29;
	v6 =	vsub.s32 v1, v6;
	v11 =	vmul.u32 v3, v3;
	v13 =	vsub.s32 $0x0, v3  }
0xf: {  	s30 =	sadd.s32 $0xFFFFFFF0, s29;
	s13 =	sadd.s32 $0xFFFFFFD0, s29;
	v49 =	vsel vm1, $0x10, v2;
	v51 =	vsel vm4, $0x10, v2;
	v52 =	vmov s31  }
0x10: {  	v53 =	vmov s13;
	vm10 =	vgt.s32 v1, s30;
	v63 =	vsel vm8, $0x10, v2  }
0x11: {  	v7 =	vmul.u32 v4, v4;
	v8 =	vmul.u32 v5, v5;
	v9 =	vsub.s32 $0x0, v6  }
0x12: {  	v10 =	vmul.u32 v6, v6;
	v12 =	vsub.s32 $0x0, v4;
	v14 =	vsub.s32 $0x0, v5  }
0x13: {  	v3 =	vmin.u32 v3, v13;
	v61 =	vsel vm10, $0x10, v2;
	v11 =	vcvt.s32.f32 v11  }
0x14: {  	v5 =	vmin.u32 v5, v14;
	v6 =	vmin.u32 v6, v9;
	v4 =	vmin.u32 v4, v12  }
0x15: {  	vm3 =	vlt.u32 v3, $0x8;
	v9 =	vsub.s32 v1, v52;
	v7 =	vcvt.s32.f32 v7  }
0x16: {  	v8 =	vcvt.s32.f32 v8;
	v10 =	vcvt.s32.f32 v10;
	vm2 =	vlt.u32 v5, $0x8  }
0x17: {  	vm14 =	vlt.u32 v6, $0x8;
	v55 =	vmul.u32 v9, v9;
	v16 =	vsub.s32 $0x0, v9  }
0x18: {  	vm15 =	vlt.u32 v4, $0x8;
	v9 =	vmin.u32 v9, v16;
	v7 =	vshrl.u32 v7, $0x17  }
0x19: {  	v8 =	vshrl.u32 v8, $0x17;
	v10 =	vshrl.u32 v10, $0x17;
	v12 =	vcvt.s32.f32 v55  }
0x1a: {  	vm12 =	vlt.u32 v9, $0x8;
	v8 =	vmin.u32 v8, $0x8C;
	v10 =	vmin.u32 v10, $0x8C  }
0x1b: {  	v7 =	vmin.u32 v7, $0x8C;
	v8 =	vadd.s32 $0x1FFFF83, v8;
	v50 =	vadd.s32 $0x1FFFF83, v10  }
0x1c: {  	v7 =	vadd.s32 $0x1FFFF83, v7;
	v10 =	vsub.s32 v1, v53;
	v59 =	vshrl.u32 v12, $0x17  }
0x1d: {  	v5 =	vsel vm2, v5, v8;
	v8 =	vshrl.u32 v11, $0x17;
	v6 =	vsel vm14, v6, v50  }
0x1e: {  	v4 =	vsel vm15, v4, v7;
	v7 =	vsel vm7, $0x10, v2;
	v56 =	vsub.s32 $0x0, v10  }
0x1f: {  	v57 =	vmul.u32 v10, v10;
	vm14 =	vgt.s32 v1, s13;
	vm15 =	vgt.s32 v1, s31  }
0x20: {  	v5 =	vadd.s32 v49, v5;
	v8 =	vmin.u32 v8, $0x8C;
	v6 =	vadd.s32 v51, v6  }
0x21: {  	v4 =	vadd.s32 v7, v4;
	v7 =	vmov s30;
	v10 =	vmin.u32 v10, v56  }
0x22: {  	v5 =	vshll.u32 v5, $0x7;
	v8 =	vadd.s32 $0x1FFFF83, v8;
	v7 =	vsub.s32 v1, v7  }
0x23: {  	v6 =	vshll.u32 v6, $0x7;
	v4 =	vshll.u32 v4, $0x7;
	v54 =	vmul.u32 v7, v7  }
0x24: {  	v14 =	vcvt.s32.f32 v57;
	v5 =	vor.u32 v0, v5;
	v3 =	vsel vm3, v3, v8  }
0x25: {  	v8 =	vsel vm0, $0x10, v2;
	v6 =	vor.u32 v0, v6;
	v11 =	vcvt.s32.f32 v54  }
0x26: {  	[tilespmem:s3], [sflag:$0x1] =	stream.linear.gather [hbm4b:s2+s3], $0x1000, $0x38;
	v4 =	vor.u32 v0, v4;
	v17 =	vsub.s32 $0x0, v7;
	v3 =	vadd.s32 v8, v3;
	[tilespmem:$0x1800] =	vst v63  }
0x27: {  	_ =	swait.ge [sflag:s7], $0x1000;
	v8 =	vmov s29;
	v3 =	vshll.u32 v3, $0x7;
	v11 =	vshrl.u32 v11, $0x17  }
0x28: {  	[sflag:s7] =	ssyncset.done $0x0;
	v7 =	vmin.u32 v7, v17;
	v3 =	vor.u32 v0, v3;
	v11 =	vmin.u32 v11, $0x8C  }
0x29: {  	[sflag:s7] =	ssyncadd.s32 $0xFFFFF000;
	v8 =	vsub.s32 v1, v8;
	vm9 =	vlt.u32 v7, $0x8;
	v11 =	vadd.s32 $0x1FFFF83, v11  }
0x2a: {  	v60 =	vshrl.u32 v14, $0x17;
	v15 =	vmul.u32 v8, v8;
	v5 =	vld.idx.msk [tilespmem:v5+s3+$0x0], $0xffff;
	v7 =	vsel vm9, v7, v11  }
0x2b: {  	vm11 =	vlt.u32 v10, $0x8;
	v12 =	vmin.u32 v60, $0x8C;
	v6 =	vld.idx.msk [tilespmem:v6+s3+$0x0], $0xffff;
	v7 =	vadd.s32 v61, v7  }
0x2c: {  	v58 =	vsub.s32 $0x0, v8;
	v15 =	vcvt.s32.f32 v15;
	v4 =	vld.idx.msk [tilespmem:v4+s3+$0x0], $0xffff;
	v7 =	vshll.u32 v7, $0x7  }
0x2d: {  	v12 =	vadd.s32 $0x1FFFF83, v12;
	v8 =	vmin.u32 v8, v58;
	v3 =	vld.idx.msk [tilespmem:v3+s3+$0x0], $0xffff;
	v7 =	vor.u32 v0, v7  }
0x2e: {  	s10 =	simm.s32 $0x1020;
	v10 =	vsel vm11, v10, v12;
	v15 =	vshrl.u32 v15, $0x17;
	v11 =	vmin.u32 v59, $0x8C  }
0x2f: {  	vm13 =	vlt.u32 v8, $0x8;
	v62 =	vmin.u32 v15, $0x8C;
	v11 =	vadd.s32 $0x1FFFF83, v11;
	[tilespmem:s10+$0x0] =	vst v5  }
0x30: {  	v13 =	vadd.s32 $0x1FFFF83, v62;
	v9 =	vsel vm12, v9, v11;
	v5 =	vsel vm14, $0x10, v2;
	[tilespmem:s10+$0xFFFFFFE0] =	vst v6  }
0x31: {  	v6 =	vsel vm13, v8, v13;
	v8 =	vsel vm15, $0x10, v2;
	[tilespmem:s10+$0xFFFFFFF0] =	vst v4;
	v4 =	vadd.s32 v5, v10  }
0x32: {  	v5 =	vadd.s32 v8, v9;
	v6 =	vadd.s32 v63, v6;
	v4 =	vshll.u32 v4, $0x7;
	[tilespmem:s10+$0x10] =	vst v3;
	v3 =	vld.idx.msk [tilespmem:v7+s3+$0x0], $0xffff  }
0x33: {  	v5 =	vshll.u32 v5, $0x7;
	v8 =	vshll.u32 v6, $0x7;
	v6 =	vor.u32 v0, v4  }
0x34: {  	s11 =	simm.s32 $0x4;
	s12 =	sadd.s32 $0x40, s29;
	v5 =	vor.u32 v0, v5;
	v4 =	vor.u32 v0, v8  }
.LBB2_2:
0x35: {  	s13 =	sadd.s32 $0xFFFFFFE0, s12;
	s15 =	sadd.s32 $0xFFFFFFF0, s12;
	v7 =	vmov s12;
	vm0 =	vgt.s32 v1, s12;
	s11 =	sadd.s32 $0x4, s11  }
0x36: {  	s14 =	sadd.s32 $0xFFFFFFD0, s12;
	s10 =	sadd.s32 $0x40, s10;
	v8 =	vmov s13;
	v9 =	vmov s15;
	v7 =	vsub.s32 v1, v7;
	p0 =	slt.u32 s11, $0x7C  }
0x37: {  	v10 =	vmov s14;
	v8 =	vsub.s32 v1, v8;
	v9 =	vsub.s32 v1, v9;
	[tilespmem:s10+$0x0] =	vst v3  }
0x38: {  	v3 =	vsub.s32 v1, v10;
	v10 =	vmul.u32 v8, v8;
	v11 =	vmul.u32 v9, v9;
	v6 =	vld.idx.msk [tilespmem:v6+s3+$0x0], $0xffff  }
0x39: {  	v14 =	vmul.u32 v7, v7;
	v12 =	vsub.s32 $0x0, v3;
	v13 =	vmul.u32 v3, v3;
	v5 =	vld.idx.msk [tilespmem:v5+s3+$0x0], $0xffff  }
0x3a: {  	v15 =	vsub.s32 $0x0, v8;
	v10 =	vcvt.s32.f32 v10;
	v11 =	vcvt.s32.f32 v11;
	v4 =	vld.idx.msk [tilespmem:v4+s3+$0x0], $0xffff  }
0x3b: {  	v16 =	vsub.s32 $0x0, v7;
	v14 =	vcvt.s32.f32 v14;
	v13 =	vcvt.s32.f32 v13  }
0x3c: {  	v17 =	vsub.s32 $0x0, v9;
	v10 =	vshrl.u32 v10, $0x17;
	v11 =	vshrl.u32 v11, $0x17  }
0x3d: {  	v9 =	vmin.u32 v9, v17;
	v13 =	vshrl.u32 v13, $0x17;
	v11 =	vmin.u32 v11, $0x8C  }
0x3e: {  	vm1 =	vgt.s32 v1, s15;
	vm2 =	vlt.u32 v9, $0x8;
	v11 =	vadd.s32 $0x1FFFF83, v11;
	[tilespmem:s10+$0xFFFFFFE0] =	vst v6  }
0x3f: {  	v6 =	vsel vm1, $0x10, v2;
	v9 =	vsel vm2, v9, v11;
	v11 =	vshrl.u32 v14, $0x17;
	[tilespmem:s10+$0xFFFFFFF0] =	vst v5  }
0x40: {  	v10 =	vmin.u32 v10, $0x8C;
	v5 =	vmin.u32 v13, $0x8C;
	v6 =	vadd.s32 v6, v9;
	[tilespmem:s10+$0x10] =	vst v4  }
0x41: {  	v3 =	vmin.u32 v3, v12;
	v4 =	vshll.u32 v6, $0x7;
	v6 =	vmin.u32 v11, $0x8C  }
0x42: {  	v7 =	vmin.u32 v7, v16;
	v8 =	vmin.u32 v8, v15;
	v4 =	vor.u32 v0, v4  }
0x43: {  	v5 =	vadd.s32 $0x1FFFF83, v5;
	v9 =	vadd.s32 $0x1FFFF83, v10;
	v6 =	vadd.s32 $0x1FFFF83, v6  }
0x44: {  	vm3 =	vlt.u32 v7, $0x8;
	vm1 =	vlt.u32 v3, $0x8;
	vm2 =	vlt.u32 v8, $0x8  }
0x45: {  	vm4 =	vgt.s32 v1, s14;
	v3 =	vsel vm1, v3, v5;
	vm1 =	vgt.s32 v1, s13  }
.Ltmp0:
0x46: {  	v5 =	vsel vm4, $0x10, v2;
	v8 =	vsel vm2, v8, v9;
	v6 =	vsel vm3, v7, v6;
	(pc) =	sbr.rel @p0 .LBB2_2-.Ltmp0, $4  }
0x47: {  	v5 =	vadd.s32 v5, v3;
	v7 =	vsel vm1, $0x10, v2;
	v3 =	vld.idx.msk [tilespmem:v4+s3+$0x0], $0xffff;
	v4 =	vsel vm0, $0x10, v2  }
0x48: {  	v5 =	vshll.u32 v5, $0x7;
	v7 =	vadd.s32 v7, v8;
	v4 =	vadd.s32 v4, v6  }
0x49: {  	v6 =	vor.u32 v0, v5;
	v5 =	vshll.u32 v7, $0x7;
	v4 =	vshll.u32 v4, $0x7  }
0x4a: {  	s12 =	sadd.s32 $0x40, s12;
	v5 =	vor.u32 v0, v5;
	v4 =	vor.u32 v0, v4  }
0x4b: {  	_ =	sdelay $0x3  }
0x4c: {  	v6 =	vld.idx.msk [tilespmem:v6+s3+$0x0], $0xffff  }
0x4d: {  	v5 =	vld.idx.msk [tilespmem:v5+s3+$0x0], $0xffff  }
0x4e: {  	v4 =	vld.idx.msk [tilespmem:v4+s3+$0x0], $0xffff  }
0x4f: {  	s10 =	sadd.s32 $0x40, s10  }
0x50: {  	[tilespmem:s10+$0x0] =	vst v3  }
0x51: {  	s9 =	sadd.s32 $0x1, s9;
	[tilespmem:s10+$0xFFFFFFE0] =	vst v6  }
0x52: {  	p0 =	sne.s32 s9, s5;
	[tilespmem:s10+$0xFFFFFFF0] =	vst v5  }
.Ltmp1:
0x53: {  	[tilespmem:s10+$0x10] =	vst v4;
	(pc) =	sbr.rel @p0 .LBB2_1-.Ltmp1, $4  }
0x54: {  	[hbm4b:s4+s3] =	stream.linear.scatter [tilespmem:s8], [sflag:$0x1], $0x800, $0x38;
	[tilespmem:$0x1800] =	vst v63  }
0x55: {  	_ =	swait.ge [sflag:s7], $0x800  }
0x56: {  	[sflag:s7] =	ssyncset.done $0x0  }
0x57: {  	[sflag:s7] =	ssyncadd.s32 $0xFFFFF800  }
0x58: {  	_ =	sfence.sel $0x180000  }
0x59: {  	[bflag:$0x0] =	sbarrier.arrive $0xFFFF  }
0x5a: {  	p0 =	sne.s32 s1, $0x0;
	_ =	strace $0x90000047  }
0x5b: {  	s0 =	sadd.s32 @!p0 $0x100000, s0;
	[bflag:$0x2] =	sbarrier.arrive $0xFFFF  }
0x5c: {  	[sflag:s0] =	ssyncadd.tile.s32 @!p0 $0x1;
	_ =	shalt  }
.Lfunc_end2:
_tile_overlayer_lowered:
.L_overlay_start_2:
0x5d: {  	(tag) =	ssettag $0x2  }
0x5e: {  	s0 =	rddreg [dreg:$0x0];
	s2 =	stileid.u32  }
0x5f: {  	s1 =	rddreg [dreg:$0x1];
	p0 =	sne.s32 s2, $0x0  }
0x60: {  	s3 =	rddreg [dreg:$0x2];
	[bflag:$0x3] =	sbarrier.arrive $0xFFFF;
	s2 =	simm.s32 @!p0 $0x1C01  }
0x61: {  	[timem:s3], [sflag:s2] =	dma.local @!p0 [hbm:s0], s1  }
0x62: {  	s0 =	simm.s32 @!p0 $0x1  }
0x63: {  	_ =	swait.ge @!p0 [sflag:s0], s1  }
0x64: {  	s1 =	ssub.s32 @!p0 $0x0, s1;
	[sflag:s0] =	ssyncset.done @!p0 $0x0  }
0x65: {  	[sflag:s0] =	ssyncadd.s32 @!p0 s1  }
0x66: {  	[bflag:$0x3] =	sbarrier.arrive $0xFFFF  }
0x67: {  	_ =	shalt  }

</sc_bundles>
